<compile_context>
chip_gen: v7x
topology: tpu7x:2x2x1
jax: 0.10.2.dev20260603
libtpu: 0.0.44.dev20260713+nightly
codegen_flags: <defaults>
</compile_context>

<pallas_src>
import functools

import jax
import jax.numpy as jnp
from jax import lax
from jax.experimental import pallas as pl
from jax.experimental.pallas import tpu as pltpu
from jax.experimental.pallas import tpu_sc as plsc

_NC = 2
_NS = 16
_NW = _NC * _NS
_L = 16


def _pooled_sum(emb_table, text_t):
    hist, batch = text_t.shape
    vocab, dim = emb_table.shape
    b_per_w = batch // _NW
    n_slice = dim // _L

    mesh = plsc.VectorSubcoreMesh(
        core_axis_name="c", subcore_axis_name="s",
        num_cores=_NC, num_subcores=_NS)

    @functools.partial(
        pl.kernel,
        out_type=jax.ShapeDtypeStruct((batch, dim), jnp.float32),
        mesh=mesh,
        scratch_types=[
            pltpu.VMEM((hist, b_per_w), jnp.int32),
            pltpu.VMEM((b_per_w, dim), jnp.float32),
            pltpu.SemaphoreType.DMA,
            pltpu.SemaphoreType.DMA,
        ],
    )
    def k(table_hbm, textt_hbm, out_hbm, idx_v, acc_v, sem, idx_sem):
        wid = lax.axis_index("s") * _NC + lax.axis_index("c")
        base = wid * b_per_w
        idx_cp = pltpu.async_copy(
            textt_hbm.at[:, pl.ds(base, b_per_w)], idx_v, idx_sem)

        zero = jnp.zeros((_L,), jnp.float32)

        def zloop(r, carry):
            for s in range(n_slice):
                acc_v[r, pl.ds(s * _L, _L)] = zero
            return carry

        lax.fori_loop(0, b_per_w, zloop, 0)
        idx_cp.wait()

        def fire(j, carry):
            pltpu.async_copy(table_hbm.at[idx_v.at[j]], acc_v, sem, add=True)
            return carry

        lax.fori_loop(0, hist, fire, 0)

        def drain(j, carry):
            pltpu.make_async_copy(table_hbm.at[idx_v.at[0]], acc_v, sem).wait()
            return carry

        lax.fori_loop(0, hist, drain, 0)
        pltpu.sync_copy(acc_v, out_hbm.at[pl.ds(base, b_per_w)])

    return k(emb_table, text_t)


def _head_body(x_ref, w_ref, b_ref, o_ref, *, inv_len):
    x = jnp.tanh(x_ref[...] * inv_len)
    logits = lax.dot_general(
        w_ref[...], x, dimension_numbers=(((1,), (1,)), ((), ())),
        preferred_element_type=jnp.float32)
    logits = logits + b_ref[...]
    m = jnp.max(logits, axis=0, keepdims=True)
    e = jnp.exp(logits - m)
    o_ref[...] = e / jnp.sum(e, axis=0, keepdims=True)


def kernel(text, offsets, emb_table, fc_w, fc_b):
    del offsets
    batch, hist = text.shape
    num_class = fc_w.shape[0]
    text_t = text.astype(jnp.int32).T
    pooled = _pooled_sum(emb_table, text_t)
    head = pl.pallas_call(
        functools.partial(_head_body, inv_len=1.0 / hist),
        out_shape=jax.ShapeDtypeStruct((num_class, batch), jnp.float32),
    )
    return head(pooled, fc_w, fc_b.reshape(num_class, 1)).T

# --- scband reference (transcript-rebuilt; emitter-appended) ---
"""Pipeline reference for scband-text-sentiment-linear-50491635531851 (READ-ONLY COPY).

The authoritative reference and input builder live on the scoring server;
editing this copy changes nothing except your own understanding.
"""

import jax, jax.numpy as jnp
import numpy as np

VOCAB = 100000
EMBED_DIM = 128
NUM_CLASS = 4
BATCH = 4096
HIST = 50

def setup_inputs(seed: int = 0) -> dict:
    key = jax.random.key(seed)
    k1, k2, k3 = jax.random.split(key, 3)
    text = jax.random.randint(k1, (BATCH, HIST), 0, VOCAB, dtype=jnp.int64 if jax.config.jax_enable_x64 else jnp.int32)
    offsets = jnp.arange(BATCH, dtype=text.dtype)
    initrange = 0.5
    emb_table = jax.random.uniform(k2, (VOCAB, EMBED_DIM), dtype=jnp.float32, minval=-initrange, maxval=initrange)
    fc_w = jax.random.uniform(k3, (NUM_CLASS, EMBED_DIM), dtype=jnp.float32, minval=-initrange, maxval=initrange)
    fc_b = jnp.zeros((NUM_CLASS,), dtype=jnp.float32)
    return {"text": text, "offsets": offsets, "emb_table": emb_table, "fc_w": fc_w, "fc_b": fc_b}

def reference(text, offsets, emb_table, fc_w, fc_b):
    # embedding lookup: gather rows -> [B, L, D]
    embedded = jnp.take(emb_table, text, axis=0)
    # mean over sequence dim
    embedded = jnp.mean(embedded, axis=1)
    embedded = jnp.tanh(embedded)
    # linear: x @ W^T + b
    logits = embedded @ fc_w.T + fc_b
    return jax.nn.softmax(logits, axis=1)

if __name__ == "__main__":
    import jax
    _d = setup_inputs()
    print(jax.jit(kernel)(*tuple(_d.values())))

</pallas_src>

<mosaic_0001>
#map = affine_map<(d0, d1) -> (0, 0)>
module attributes {stable_mosaic.version = 14 : i64} {
  func.func @k(%arg0: i32, %arg1: i32, %arg2: memref<100000x128xf32, #tpu.memory_space<hbm>>, %arg3: memref<50x4096xi32, #tpu.memory_space<hbm>>, %arg4: memref<4096x128xf32, #tpu.memory_space<hbm>>, %arg5: memref<50x128xi32, #tpu.memory_space<vmem>>, %arg6: memref<128x128xf32, #tpu.memory_space<vmem>>, %arg7: memref<!tpu.dma_semaphore, #tpu.memory_space<semaphore_mem>>, %arg8: memref<!tpu.dma_semaphore, #tpu.memory_space<semaphore_mem>>) attributes {dimension_semantics = [#tpu.dimension_semantics<core_parallel>, #tpu.dimension_semantics<subcore_parallel>], iteration_bounds = array<i64: 2, 16>, scalar_prefetch = 0 : i64, scratch_operands = 4 : i64, tpu.core_type = #tpu.core_type<sc_vector_subcore>, window_params = [{transform_indices = #map}, {transform_indices = #map}, {transform_indices = #map}]} {
    %mul3A = arith.constant 2 : i32
    %mul3A_0 = arith.muli %arg1, %mul3A : i32
    %add3A = arith.addi %mul3A_0, %arg0 : i32
    %mul3A_1 = arith.constant 128 : i32
    %mul3A_2 = arith.muli %add3A, %mul3A_1 : i32
    %dma_start3A = arith.constant 0 : i32
    %dma_start3A_3 = tpu.memref_slice %arg3[%dma_start3A, %mul3A_2] : memref<50x4096xi32, #tpu.memory_space<hbm>> -> memref<50x128xi32, #tpu.memory_space<hbm>>
    %dma_start3A_4 = arith.constant 0 : i32
    %dma_start3A_5 = tpu.memref_slice %arg3[%dma_start3A_4, %mul3A_2] : memref<50x4096xi32, #tpu.memory_space<hbm>> -> memref<50x128xi32, #tpu.memory_space<hbm>>
    tpu.enqueue_dma source(%dma_start3A_5 : memref<50x128xi32, #tpu.memory_space<hbm>>) target(%arg5 : memref<50x128xi32, #tpu.memory_space<vmem>>) target_semaphore(%arg8 : memref<!tpu.dma_semaphore, #tpu.memory_space<semaphore_mem>>)
    %broadcast_in_dim3A = arith.constant 0.000000e+00 : f32
    %broadcast_in_dim3A_6 = vector.broadcast %broadcast_in_dim3A : f32 to vector<16xf32>
    %scan3A = arith.constant 0 : i32
    %scan3A_7 = arith.constant 0 : i32
    %scan3A_8 = arith.constant 128 : i32
    %scan3A_9 = arith.addi %scan3A_7, %scan3A_8 : i32
    %scan3A_10 = arith.constant 1 : i32
    scf.for %scan3A_27 = %scan3A_7 to %scan3A_9 step %scan3A_10  : i32 {
      %swap3A = arith.index_cast %scan3A_27 : i32 to index
      %swap3A_28 = arith.constant 0 : index
      %swap3A_29 = tpu.vector_load %arg6[%swap3A, %swap3A_28] {strides = array<i32>} : memref<128x128xf32, #tpu.memory_space<vmem>>, vector<1x16xf32>,
      %swap3A_30 = vector.shape_cast %swap3A_29 : vector<1x16xf32> to vector<16xf32>
      %swap3A_31 = vector.shape_cast %broadcast_in_dim3A_6 : vector<16xf32> to vector<1x16xf32>
      tpu.vector_store %arg6[%swap3A, %swap3A_28], %swap3A_31 {strides = array<i32>} : memref<128x128xf32, #tpu.memory_space<vmem>>, vector<1x16xf32>,
      %swap3A_32 = arith.index_cast %scan3A_27 : i32 to index
      %swap3A_33 = arith.constant 16 : index
      %swap3A_34 = tpu.vector_load %arg6[%swap3A_32, %swap3A_33] {strides = array<i32>} : memref<128x128xf32, #tpu.memory_space<vmem>>, vector<1x16xf32>,
      %swap3A_35 = vector.shape_cast %swap3A_34 : vector<1x16xf32> to vector<16xf32>
      %swap3A_36 = vector.shape_cast %broadcast_in_dim3A_6 : vector<16xf32> to vector<1x16xf32>
      tpu.vector_store %arg6[%swap3A_32, %swap3A_33], %swap3A_36 {strides = array<i32>} : memref<128x128xf32, #tpu.memory_space<vmem>>, vector<1x16xf32>,
      %swap3A_37 = arith.index_cast %scan3A_27 : i32 to index
      %swap3A_38 = arith.constant 32 : index
      %swap3A_39 = tpu.vector_load %arg6[%swap3A_37, %swap3A_38] {strides = array<i32>} : memref<128x128xf32, #tpu.memory_space<vmem>>, vector<1x16xf32>,
      %swap3A_40 = vector.shape_cast %swap3A_39 : vector<1x16xf32> to vector<16xf32>
      %swap3A_41 = vector.shape_cast %broadcast_in_dim3A_6 : vector<16xf32> to vector<1x16xf32>
      tpu.vector_store %arg6[%swap3A_37, %swap3A_38], %swap3A_41 {strides = array<i32>} : memref<128x128xf32, #tpu.memory_space<vmem>>, vector<1x16xf32>,
      %swap3A_42 = arith.index_cast %scan3A_27 : i32 to index
      %swap3A_43 = arith.constant 48 : index
      %swap3A_44 = tpu.vector_load %arg6[%swap3A_42, %swap3A_43] {strides = array<i32>} : memref<128x128xf32, #tpu.memory_space<vmem>>, vector<1x16xf32>,
      %swap3A_45 = vector.shape_cast %swap3A_44 : vector<1x16xf32> to vector<16xf32>
      %swap3A_46 = vector.shape_cast %broadcast_in_dim3A_6 : vector<16xf32> to vector<1x16xf32>
      tpu.vector_store %arg6[%swap3A_42, %swap3A_43], %swap3A_46 {strides = array<i32>} : memref<128x128xf32, #tpu.memory_space<vmem>>, vector<1x16xf32>,
      %swap3A_47 = arith.index_cast %scan3A_27 : i32 to index
      %swap3A_48 = arith.constant 64 : index
      %swap3A_49 = tpu.vector_load %arg6[%swap3A_47, %swap3A_48] {strides = array<i32>} : memref<128x128xf32, #tpu.memory_space<vmem>>, vector<1x16xf32>,
      %swap3A_50 = vector.shape_cast %swap3A_49 : vector<1x16xf32> to vector<16xf32>
      %swap3A_51 = vector.shape_cast %broadcast_in_dim3A_6 : vector<16xf32> to vector<1x16xf32>
      tpu.vector_store %arg6[%swap3A_47, %swap3A_48], %swap3A_51 {strides = array<i32>} : memref<128x128xf32, #tpu.memory_space<vmem>>, vector<1x16xf32>,
      %swap3A_52 = arith.index_cast %scan3A_27 : i32 to index
      %swap3A_53 = arith.constant 80 : index
      %swap3A_54 = tpu.vector_load %arg6[%swap3A_52, %swap3A_53] {strides = array<i32>} : memref<128x128xf32, #tpu.memory_space<vmem>>, vector<1x16xf32>,
      %swap3A_55 = vector.shape_cast %swap3A_54 : vector<1x16xf32> to vector<16xf32>
      %swap3A_56 = vector.shape_cast %broadcast_in_dim3A_6 : vector<16xf32> to vector<1x16xf32>
      tpu.vector_store %arg6[%swap3A_52, %swap3A_53], %swap3A_56 {strides = array<i32>} : memref<128x128xf32, #tpu.memory_space<vmem>>, vector<1x16xf32>,
      %swap3A_57 = arith.index_cast %scan3A_27 : i32 to index
      %swap3A_58 = arith.constant 96 : index
      %swap3A_59 = tpu.vector_load %arg6[%swap3A_57, %swap3A_58] {strides = array<i32>} : memref<128x128xf32, #tpu.memory_space<vmem>>, vector<1x16xf32>,
      %swap3A_60 = vector.shape_cast %swap3A_59 : vector<1x16xf32> to vector<16xf32>
      %swap3A_61 = vector.shape_cast %broadcast_in_dim3A_6 : vector<16xf32> to vector<1x16xf32>
      tpu.vector_store %arg6[%swap3A_57, %swap3A_58], %swap3A_61 {strides = array<i32>} : memref<128x128xf32, #tpu.memory_space<vmem>>, vector<1x16xf32>,
      %swap3A_62 = arith.index_cast %scan3A_27 : i32 to index
      %swap3A_63 = arith.constant 112 : index
      %swap3A_64 = tpu.vector_load %arg6[%swap3A_62, %swap3A_63] {strides = array<i32>} : memref<128x128xf32, #tpu.memory_space<vmem>>, vector<1x16xf32>,
      %swap3A_65 = vector.shape_cast %swap3A_64 : vector<1x16xf32> to vector<16xf32>
      %swap3A_66 = vector.shape_cast %broadcast_in_dim3A_6 : vector<16xf32> to vector<1x16xf32>
      tpu.vector_store %arg6[%swap3A_62, %swap3A_63], %swap3A_66 {strides = array<i32>} : memref<128x128xf32, #tpu.memory_space<vmem>>, vector<1x16xf32>,
    }
    %scan3A_11 = arith.constant 128 : i32
    %dma_wait3A = arith.constant 0 : i32
    %dma_wait3A_12 = tpu.memref_slice %arg3[%dma_wait3A, %mul3A_2] : memref<50x4096xi32, #tpu.memory_space<hbm>> -> memref<50x128xi32, #tpu.memory_space<hbm>>
    %dma_wait3A_13 = arith.constant 0 : i32
    %dma_wait3A_14 = tpu.memref_slice %arg3[%dma_wait3A_13, %mul3A_2] : memref<50x4096xi32, #tpu.memory_space<hbm>> -> memref<50x128xi32, #tpu.memory_space<hbm>>
    tpu.wait_dma2 semaphore(%arg8 : memref<!tpu.dma_semaphore, #tpu.memory_space<semaphore_mem>>) src(%dma_wait3A_14 : memref<50x128xi32, #tpu.memory_space<hbm>>) dst(%arg5 : memref<50x128xi32, #tpu.memory_space<vmem>>)
    %scan3A_15 = arith.constant 0 : i32
    %scan3A_16 = arith.constant 0 : i32
    %scan3A_17 = arith.constant 50 : i32
    %scan3A_18 = arith.addi %scan3A_16, %scan3A_17 : i32
    %scan3A_19 = arith.constant 1 : i32
    scf.for %scan3A_27 = %scan3A_16 to %scan3A_18 step %scan3A_19  : i32 {
      %dma_start3A_28 = arith.constant 0 : i32
      %dma_start3A_29 = tpu.memref_slice %arg5[%scan3A_27, %dma_start3A_28] : memref<50x128xi32, #tpu.memory_space<vmem>> -> memref<1x128xi32, #tpu.memory_space<vmem>>
      %dma_start3A_30 = tpu.memref_squeeze %dma_start3A_29 : memref<1x128xi32, #tpu.memory_space<vmem>> -> memref<128xi32, #tpu.memory_space<vmem>>
      %dma_start3A_31 = arith.constant 0 : i32
      %dma_start3A_32 = arith.constant 0 : i32
      %dma_start3A_33 = tpu.memref_slice %arg2[%dma_start3A_31, %dma_start3A_32] : memref<100000x128xf32, #tpu.memory_space<hbm>> -> memref<100000x128xf32, #tpu.memory_space<hbm>>
      tpu.enqueue_indirect_dma source(%dma_start3A_33 : memref<100000x128xf32, #tpu.memory_space<hbm>>) target(%arg6 : memref<128x128xf32, #tpu.memory_space<vmem>>) offsets(%dma_start3A_30 : memref<128xi32, #tpu.memory_space<vmem>>) semaphore(%arg7 : memref<!tpu.dma_semaphore, #tpu.memory_space<semaphore_mem>>) {add = true}
    }
    %scan3A_20 = arith.constant 50 : i32
    %scan3A_21 = arith.constant 0 : i32
    %scan3A_22 = arith.constant 0 : i32
    %scan3A_23 = arith.constant 50 : i32
    %scan3A_24 = arith.addi %scan3A_22, %scan3A_23 : i32
    %scan3A_25 = arith.constant 1 : i32
    scf.for %scan3A_27 = %scan3A_22 to %scan3A_24 step %scan3A_25  : i32 {
      %dma_wait3A_28 = arith.constant 0 : i32
      %dma_wait3A_29 = arith.constant 0 : i32
      %dma_wait3A_30 = tpu.memref_slice %arg5[%dma_wait3A_28, %dma_wait3A_29] : memref<50x128xi32, #tpu.memory_space<vmem>> -> memref<1x128xi32, #tpu.memory_space<vmem>>
      %dma_wait3A_31 = tpu.memref_squeeze %dma_wait3A_30 : memref<1x128xi32, #tpu.memory_space<vmem>> -> memref<128xi32, #tpu.memory_space<vmem>>
      %dma_wait3A_32 = arith.constant 0 : i32
      %dma_wait3A_33 = arith.constant 0 : i32
      %dma_wait3A_34 = tpu.memref_slice %arg2[%dma_wait3A_32, %dma_wait3A_33] : memref<100000x128xf32, #tpu.memory_space<hbm>> -> memref<100000x128xf32, #tpu.memory_space<hbm>>
      tpu.wait_indirect_dma semaphore(%arg7 : memref<!tpu.dma_semaphore, #tpu.memory_space<semaphore_mem>>) src(%dma_wait3A_34 : memref<100000x128xf32, #tpu.memory_space<hbm>>) dst(%arg6 : memref<128x128xf32, #tpu.memory_space<vmem>>)
    }
    %scan3A_26 = arith.constant 50 : i32
    "tpu.region"() ({
      %run_scoped3A = tpu.sem_alloc : memref<!tpu.dma_semaphore, #tpu.memory_space<semaphore_mem>>
      %dma_start3A_27 = arith.constant 0 : i32
      %dma_start3A_28 = tpu.memref_slice %arg4[%mul3A_2, %dma_start3A_27] : memref<4096x128xf32, #tpu.memory_space<hbm>> -> memref<128x128xf32, #tpu.memory_space<hbm>>
      %dma_start3A_29 = arith.constant 0 : i32
      %dma_start3A_30 = tpu.memref_slice %arg4[%mul3A_2, %dma_start3A_29] : memref<4096x128xf32, #tpu.memory_space<hbm>> -> memref<128x128xf32, #tpu.memory_space<hbm>>
      tpu.enqueue_dma source(%arg6 : memref<128x128xf32, #tpu.memory_space<vmem>>) target(%dma_start3A_30 : memref<128x128xf32, #tpu.memory_space<hbm>>) target_semaphore(%run_scoped3A : memref<!tpu.dma_semaphore, #tpu.memory_space<semaphore_mem>>)
      %dma_wait3A_31 = arith.constant 0 : i32
      %dma_wait3A_32 = tpu.memref_slice %arg4[%mul3A_2, %dma_wait3A_31] : memref<4096x128xf32, #tpu.memory_space<hbm>> -> memref<128x128xf32, #tpu.memory_space<hbm>>
      %dma_wait3A_33 = arith.constant 0 : i32
      %dma_wait3A_34 = tpu.memref_slice %arg4[%mul3A_2, %dma_wait3A_33] : memref<4096x128xf32, #tpu.memory_space<hbm>> -> memref<128x128xf32, #tpu.memory_space<hbm>>
      tpu.wait_dma2 semaphore(%run_scoped3A : memref<!tpu.dma_semaphore, #tpu.memory_space<semaphore_mem>>) src(%arg6 : memref<128x128xf32, #tpu.memory_space<vmem>>) dst(%dma_wait3A_34 : memref<128x128xf32, #tpu.memory_space<hbm>>)
      tpu.yield
    }) : () -> ()
    return
  }
}

module attributes {stable_mosaic.version = 14 : i64} {
  func.func @_head_body(%arg0: memref<4096x128xf32, #tpu.memory_space<vmem>>, %arg1: memref<4x128xf32, #tpu.memory_space<vmem>>, %arg2: memref<4x1xf32, #tpu.memory_space<vmem>>, %arg3: memref<4x4096xf32, #tpu.memory_space<vmem>>) attributes {dimension_semantics = [], scalar_prefetch = 0 : i64, scratch_operands = 0 : i64, tpu.core_type = #tpu.core_type<tc>} {
    %get3A = arith.constant 0 : index
    %get3A_0 = arith.constant 0 : index
    %get3A_1 = vector.load %arg0[%get3A, %get3A_0] : memref<4096x128xf32, #tpu.memory_space<vmem>>, vector<4096x128xf32>
    %mul3A = arith.constant 2.000000e-02 : f32
    %mul3A_2 = vector.broadcast %mul3A : f32 to vector<4096x128xf32>
    %mul3A_3 = arith.mulf %get3A_1, %mul3A_2 : vector<4096x128xf32>
    %tanh3A = math.tanh %mul3A_3 : vector<4096x128xf32>
    %get3A_4 = arith.constant 0 : index
    %get3A_5 = arith.constant 0 : index
    %get3A_6 = vector.load %arg1[%get3A_4, %get3A_5] : memref<4x128xf32, #tpu.memory_space<vmem>>, vector<4x128xf32>
    %dot_general3A = arith.constant dense<0.000000e+00> : vector<4x4096xf32>
    %dot_general3A_7 = tpu.matmul %get3A_6, %tanh3A, %dot_general3A {dimension_numbers = #tpu.dot_dimension_numbers<[1], [1], [0], [0], [0, 0, 1, 0], [], []>, transpose_lhs_hint = false} : vector<4x128xf32>, vector<4096x128xf32>, vector<4x4096xf32> -> vector<4x4096xf32>
    %get3A_8 = arith.constant 0 : index
    %get3A_9 = arith.constant 0 : index
    %get3A_10 = vector.load %arg2[%get3A_8, %get3A_9] : memref<4x1xf32, #tpu.memory_space<vmem>>, vector<4x1xf32>
    %add3A = vector.broadcast %get3A_10 : vector<4x1xf32> to vector<4x4096xf32>
    %add3A_11 = arith.addf %dot_general3A_7, %add3A : vector<4x4096xf32>
    %reduce_max3A = arith.constant dense<0xFF800000> : vector<4096xf32>
    %reduce_max3A_12 = vector.multi_reduction <maximumf>, %add3A_11, %reduce_max3A [0] : vector<4x4096xf32> to vector<4096xf32>
    %broadcast_in_dim3A = vector.shape_cast %reduce_max3A_12 : vector<4096xf32> to vector<1x4096xf32>
    %sub3A = vector.broadcast %broadcast_in_dim3A : vector<1x4096xf32> to vector<4x4096xf32>
    %sub3A_13 = arith.subf %add3A_11, %sub3A : vector<4x4096xf32>
    %exp3A = math.exp %sub3A_13 : vector<4x4096xf32>
    %reduce_sum3A = arith.constant dense<0.000000e+00> : vector<4096xf32>
    %reduce_sum3A_14 = vector.multi_reduction <add>, %exp3A, %reduce_sum3A [0] : vector<4x4096xf32> to vector<4096xf32>
    %broadcast_in_dim3A_15 = vector.shape_cast %reduce_sum3A_14 : vector<4096xf32> to vector<1x4096xf32>
    %div3A = vector.broadcast %broadcast_in_dim3A_15 : vector<1x4096xf32> to vector<4x4096xf32>
    %div3A_16 = arith.divf %exp3A, %div3A : vector<4x4096xf32>
    %swap3A = arith.constant 0 : index
    %swap3A_17 = arith.constant 0 : index
    %swap3A_18 = vector.load %arg3[%swap3A, %swap3A_17] : memref<4x4096xf32, #tpu.memory_space<vmem>>, vector<4x4096xf32>
    tpu.vector_store %arg3[%swap3A, %swap3A_17], %div3A_16 {strides = array<i32>} : memref<4x4096xf32, #tpu.memory_space<vmem>>, vector<4x4096xf32>,
    return
  }
}

</mosaic_0001>

<sc_bundles>
// kernel: kernel.4.cloned.1.call-start
scs
__scs_entry_jumppad:
0x0: {  	(pc) =	sbr.rel $0x88, $3  }
0x1: {  	(tag) =	ssettag $0x0;
	lr =	simm.s32 $0x1  }
0x2: {  	[smem:$0x3F9D] =	sst lr;
	_ =	strace $0xD0000000  }
0x3: {  	_ = 	snop  }
0x4: {  	_ = 	snop  }
0x5: {  	_ = 	snop  }
0x6: {  	_ = 	snop  }
0x7: {  	_ = 	snop  }
__scs_overlays_trampoline_lowered:
0x8: {  	[smem:$0x3FAC] =	sst s0  }
0x9: {  	[smem:$0x3FAD] =	sst s1  }
0xa: {  	[smem:$0x3FAE] =	sst s2  }
0xb: {  	[smem:$0x3FAF] =	sst s3  }
0xc: {  	[smem:$0x3FB0] =	sst s4  }
0xd: {  	[smem:$0x3FB1] =	sst s5  }
0xe: {  	[smem:$0x3FB2] =	sst s6  }
0xf: {  	[smem:$0x3FB3] =	sst s7  }
0x10: {  	[smem:$0x3FB4] =	sst s8  }
0x11: {  	[smem:$0x3FB5] =	sst s9;
	s0 =	simm.s32 @!p0 $0x0  }
0x12: {  	s1 =	sld [smem:$0x3F9B];
	s0 =	simm.s32 @p0 $0x1  }
0x13: {  	[smem:$0x3FB6] =	sst s0;
	s0 =	simm.s32 @!p1 $0x0  }
0x14: {  	s2 =	sld [smem:$0x3F9A];
	s0 =	simm.s32 @p1 $0x1  }
0x15: {  	[smem:$0x3FB7] =	sst s0;
	s0 =	simm.s32 @!p2 $0x0  }
0x16: {  	s3 =	sld [smem:$0x3FDB];
	s0 =	simm.s32 @p2 $0x1  }
0x17: {  	s4 =	simm.s32 $0x1BF5;
	[smem:$0x3FB9] =	sst s0  }
0x18: {  	s0 =	sld [smem:$0x3F9C];
	_ =	swait.ge [sflag:s4], $0x0  }
0x19: {  	s7 =	sld [smem:$0x3F9D]  }
0x1a: {  	s8 =	sadd.s32 $0xFFFFE003, lr  }
0x1b: {  	s9 =	sadd.s32 $0xFFFFFEF7, lr;
	s5 =	simm.s32 $0xFFFFFFFF;
	p2 =	slt.u32 s8, $0xFFFFF086  }
0x1c: {  	p1 =	slt.u32 s9, $0xF7A;
	s5 =	simm.s32 @!p2 $0x0  }
0x1d: {  	s5 =	simm.s32 @p1 $0x1;
	p0 =	seq.s32 s7, s2  }
0x1e: {  	s7 =	smul.u32 @!p0 $0xF7A, s2;
	p2 =	seq.s32 @!p0 s5, $0x0  }
0x1f: {  	s9 =	smul.u32 $0xF7A, s1;
	s8 =	simm.s32 @!p0 $0x1BF5;
	p2 =	por !p2, p0  }
0x20: {  	[sflag:s8] =	ssyncset.s32 @!p0 $0xFFFFF086;
	s6 =	sadd.s32 @!p0 s3, s7;
	s7 =	simm.s32 @!p0 $0x108  }
0x21: {  	s3 =	sadd.s32 s3, s9;
	s6 =	sadd.s32 @!p0 $0x88, s6;
	s7 =	simm.s32 @p2 $0x1082  }
0x22: {  	[simem:s7], [sflag:s8] =	dma.local @!p0 [hbm:s6], $0xF7A  }
0x23: {  	s9 =	sor.u32 $0xD0000000, s2;
	s6 =	simm.s32 $0x108;
	_ =	swait.ge @!p0 [sflag:s8], $0x0  }
0x24: {  	s3 =	sadd.s32 $0x88, s3;
	s6 =	simm.s32 @!p1 $0x1082;
	[sflag:s4] =	ssyncset.s32 $0xFFFFF086  }
0x25: {  	[simem:s6], [sflag:s4] =	dma.local [hbm:s3], $0xF7A  }
0x26: {  	[smem:$0x3F9D] =	sst s1;
	(tag) =	ssettag s2;
	_ =	strace s9  }
0x27: {  	s1 =	sld [smem:$0x3FAD]  }
0x28: {  	s2 =	sld [smem:$0x3FAE]  }
0x29: {  	s4 =	sld [smem:$0x3FB0]  }
0x2a: {  	p0 =	seq.s32 s5, $0x0;
	s5 =	sld [smem:$0x3FB1]  }
0x2b: {  	s6 =	sld [smem:$0x3FB2]  }
0x2c: {  	s7 =	sld [smem:$0x3FB3]  }
0x2d: {  	s3 =	simm.s32 $0x108;
	s8 =	sld [smem:$0x3FB4]  }
0x2e: {  	s3 =	simm.s32 @!p0 $0x1082;
	s9 =	sld [smem:$0x3FB5]  }
0x2f: {  	lr =	sadd.s32 s0, s3;
	s0 =	sld [smem:$0x3FAC]  }
0x30: {  	s3 =	sld [smem:$0x3FAF]  }
0x31: {  	[smem:$0x3FB8] =	sst s10  }
0x32: {  	s10 =	sld [smem:$0x3FB6];
	_ =	sdelay $0x3  }
0x33: {  	p0 =	seq.s32 s10, $0x1;
	s10 =	sld [smem:$0x3FB8];
	_ =	sdelay $0x3  }
0x34: {  	[smem:$0x3FB8] =	sst s10  }
0x35: {  	s10 =	sld [smem:$0x3FB7];
	_ =	sdelay $0x3  }
0x36: {  	p1 =	seq.s32 s10, $0x1;
	s10 =	sld [smem:$0x3FB8];
	_ =	sdelay $0x3  }
0x37: {  	[smem:$0x3FB8] =	sst s10  }
0x38: {  	s10 =	sld [smem:$0x3FB9]  }
0x39: {  	_ = 	snop;
	(pc) =	sbr.ind lr, $3  }
0x3a: {  	_ = 	snop  }
0x3b: {  	_ = 	snop  }
0x3c: {  	p2 =	seq.s32 s10, $0x1;
	s10 =	sld [smem:$0x3FB8]  }
0x3d: {  	_ =	shalt  }
0x3e: {  	_ =	shalt  }
0x3f: {  	_ =	shalt  }
0x40: {  	_ =	shalt  }
0x41: {  	_ =	shalt  }
0x42: {  	_ =	shalt  }
0x43: {  	_ =	shalt  }
0x44: {  	_ =	shalt  }
0x45: {  	_ =	shalt  }
0x46: {  	_ =	shalt  }
0x47: {  	_ =	shalt  }
0x48: {  	_ =	shalt  }
0x49: {  	_ =	shalt  }
0x4a: {  	_ =	shalt  }
0x4b: {  	_ =	shalt  }
0x4c: {  	_ =	shalt  }
0x4d: {  	_ =	shalt  }
0x4e: {  	_ =	shalt  }
0x4f: {  	_ =	shalt  }
0x50: {  	_ =	shalt  }
0x51: {  	_ =	shalt  }
0x52: {  	_ =	shalt  }
0x53: {  	_ =	shalt  }
0x54: {  	_ =	shalt  }
0x55: {  	_ =	shalt  }
0x56: {  	_ =	shalt  }
0x57: {  	_ =	shalt  }
0x58: {  	_ =	shalt  }
0x59: {  	_ =	shalt  }
0x5a: {  	_ =	shalt  }
0x5b: {  	_ =	shalt  }
0x5c: {  	_ =	shalt  }
0x5d: {  	_ =	shalt  }
0x5e: {  	_ =	shalt  }
0x5f: {  	_ =	shalt  }
0x60: {  	_ =	shalt  }
0x61: {  	_ =	shalt  }
0x62: {  	_ =	shalt  }
0x63: {  	_ =	shalt  }
0x64: {  	_ =	shalt  }
0x65: {  	_ =	shalt  }
0x66: {  	_ =	shalt  }
0x67: {  	_ =	shalt  }
0x68: {  	_ =	shalt  }
0x69: {  	_ =	shalt  }
0x6a: {  	_ =	shalt  }
0x6b: {  	_ =	shalt  }
0x6c: {  	_ =	shalt  }
0x6d: {  	_ =	shalt  }
0x6e: {  	_ =	shalt  }
0x6f: {  	_ =	shalt  }
0x70: {  	_ =	shalt  }
0x71: {  	_ =	shalt  }
0x72: {  	_ =	shalt  }
0x73: {  	_ =	shalt  }
0x74: {  	_ =	shalt  }
0x75: {  	_ =	shalt  }
0x76: {  	_ =	shalt  }
0x77: {  	_ =	shalt  }
0x78: {  	_ =	shalt  }
0x79: {  	_ =	shalt  }
0x7a: {  	_ =	shalt  }
0x7b: {  	_ =	shalt  }
0x7c: {  	_ =	shalt  }
0x7d: {  	_ =	shalt  }
0x7e: {  	_ =	shalt  }
0x7f: {  	_ =	shalt  }
0x80: {  	_ =	shalt  }
0x81: {  	_ =	shalt  }
0x82: {  	_ =	shalt  }
0x83: {  	_ =	shalt  }
0x84: {  	_ =	shalt  }
0x85: {  	_ =	shalt  }
0x86: {  	_ =	shalt  }
0x87: {  	_ =	shalt  }
.Lfunc_end0:
.L_simem_size_0:
called_computation_lowered:
.L_overlay_start_0:
0x88: {  	s2 =	sld [smem:$0x3FD9]  }
0x89: {  	s3 =	sld [smem:$0x3FFE];
	_ =	sdelay $0x1  }
0x8a: {  	s1 =	srdreg.scid  }
0x8b: {  	s0 =	sand.u32 $0x1, s1  }
0x8c: {  	s17 =	sshll.u32 s0, $0xA;
	s2 =	sadd.s32 s3, s2  }
0x8d: {  	s2 =	sadd.s32 s2, s17  }
0x8e: {  	[smem:$0x3FC4] =	sst s2  }
0x8f: {  	_ = 	snop  }
0x90: {  	s2 =	sld [smem:$0x3FC9]  }
0x91: {  	s18 =	sld [smem:$0x3FC8];
	(tm) =	ssettm $0x1  }
0x92: {  	s4 =	sld [smem:$0x3FFB];
	_ =	sdelay $0x3  }
0x93: {  	_ =	strace s4  }
0x94: {  	s4 =	sld [smem:$0x3FFC];
	_ =	sdelay $0x3  }
0x95: {  	_ =	strace s4  }
0x96: {  	s4 =	sld [smem:$0x3FFD];
	_ =	sdelay $0x3  }
0x97: {  	_ =	strace s4  }
0x98: {  	_ =	strace $0x8FFFFFFF  }
0x99: {  	s19 =	sld [smem:$0x3FDB];
	_ =	sdelay $0x1  }
0x9a: {  	s5 =	simm.s32 $_scs_section_size  }
0x9b: {  	s6 =	simm.s32 $_size__tile_overlayer_lowered;
	s7 =	simm.s32 $_tile_overlayer_lowered  }
0x9c: {  	s22 =	simm.s32 $0x1BFF;
	s21 =	sshll.u32 s7, $0x1;
	s4 =	sadd.s32 s5, s19  }
0x9d: {  	s8 =	simm.s32 $0x0;
	s20 =	sshll.u32 s6, $0x1;
	s6 =	sadd.s32 s21, s4  }
0x9e: {  	[timem:s8], [sflag:s22] =	dma.local [hbm:s6], s20  }
0x9f: {  	_ =	swait.ge [sflag:s22], s20  }
0xa0: {  	s5 =	ssub.s32 $0x0, s20;
	[sflag:s22] =	ssyncset.done $0x0  }
0xa1: {  	[sflag:s22] =	ssyncadd.s32 s5;
	_ =	sdelay $0x1  }
0xa2: {  	s23 =	simm.s32 $0x1B8B  }
0xa3: {  	_ =	swait.ge [sflag:s23], $0x1  }
0xa4: {  	[sflag:s23] =	ssyncset.done $0x0  }
0xa5: {  	s25 =	simm.s32 $0x1B8E;
	s24 =	sld [smem:$0x3FFE];
	[sflag:s23] =	ssyncadd.s32 $0xFFFFFFFF  }
0xa6: {  	s26 =	simm.s32 $execute0_lowered;
	[smem:$0x3FD2] =	sst s25  }
0xa7: {  	s6 =	sshll.u32 s26, $0x1;
	_ =	strace $0x80000046;
	[dreg:$0x1] =	wrdreg $0xFFFFFFFF  }
0xa8: {  	s28 =	simm.s32 $_size_execute0_lowered;
	s4 =	sadd.s32 s4, s6;
	[dreg:$0x0] =	wrdreg $0x0  }
0xa9: {  	s6 =	sshll.u32 s28, $0x1;
	[dreg:$0x2] =	wrdreg s4  }
0xaa: {  	[dreg:$0x3] =	wrdreg s6  }
0xab: {  	[dreg:$0x4] =	wrdreg $0xC0  }
0xac: {  	_ =	task [dreg:s8], $0x5FFFF  }
0xad: {  	[dreg:$0x1] =	wrdreg $0xFFFFFFFF  }
0xae: {  	[dreg:$0x0] =	wrdreg $0x60  }
0xaf: {  	[dreg:$0x2] =	wrdreg s18  }
0xb0: {  	[dreg:$0x3] =	wrdreg s2  }
0xb1: {  	[dreg:$0x4] =	wrdreg s24  }
0xb2: {  	[dreg:$0x5] =	wrdreg $0x9  }
0xb3: {  	_ =	task.clear_ibuf [dreg:s8], $0x6FFFF;
	_ =	strace $0x90000046  }
0xb4: {  	s29 =	simm.s32 $0x9;
	_ =	strace $0x80000048  }
0xb5: {  	_ =	swait.ge [sflag:s29], $0x1  }
0xb6: {  	[sflag:s29] =	ssyncadd.s32 $0xFFFFFFFF  }
0xb7: {  	_ =	strace $0x90000048  }
0xb8: {  	_ =	sfence  }
0xb9: {  	s30 =	sld [smem:$0x0];
	_ =	sdelay $0x2  }
0xba: {  	s31 =	sshll.u32 s1, $0xD;
	s1 =	sshrl.u32 s1, $0x2  }
0xbb: {  	s3 =	sand.u32 $0x4000, s31;
	s1 =	sadd.s32 s1, s30  }
0xbc: {  	s0 =	sor.u32 s3, s0;
	s1 =	sshll.u32 s1, $0x11  }
0xbd: {  	s0 =	sor.u32 s1, s0  }
0xbe: {  	s0 =	sadd.s32 $0x8F2B, s0  }
0xbf: {  	[sflag:s0] =	ssyncadd.remote.s32 $0x1  }
0xc0: {  	_ =	sfence.sel $0xFFFF  }
0xc1: {  	[dreg:$0x0] =	wrdreg $0xFFFFFFFF;
	(pc) =	sbr.abs _section_cstart, $3  }
0xc2: {  	[dreg:$0x1] =	wrdreg $0xFFFFFFFF  }
0xc3: {  	_ =	task.clear_ibuf [dreg:s8], $0x2FFFF;
	_ =	strace $0x9FFFFFFF  }
0xc4: {  	(tm) =	ssettm $0x7FFFFFFF  }
0xc5: {  	_ =	shalt  }
tec
execute0_lowered:
.L_overlay_start_1:
0x0: {  	(tag) =	ssettag $0x1  }
0x1: {  	s1 =	rddreg [dreg:$0x0]  }
0x2: {  	s4 =	rddreg [dreg:$0x1]  }
0x3: {  	s5 =	rddreg [dreg:$0x2];
	s3 =	srdreg.scid  }
0x4: {  	s0 =	rddreg [dreg:$0x3];
	s2 =	stileid.u32;
	s10 =	simm.s32 $0x1800  }
0x5: {  	s11 =	simm.s32 $0x2;
	s12 =	simm.s32 $0x80;
	s13 =	simm.s32 $0x1C00  }
0x6: {  	s14 =	simm.s32 $0x1;
	s15 =	simm.s32 $0x3;
	s16 =	simm.s32 $0x0  }
0x7: {  	s6 =	sand.u32 $0x1, s3;
	s3 =	simm.s32 $0x0;
	s7 =	sshll.u32 s2, $0x8  }
0x8: {  	s8 =	sshll.u32 s6, $0x7;
	[smem:$0x7FF] =	sst s3;
	s6 =	ssub.s32 $0x2, s6  }
0x9: {  	s7 =	sor.u32 s8, s7;
	_ =	strace $0x80000047;
	s9 =	sshrl.u32 s6, $0x1  }
0xa: {  	s8 =	sshll.u32 s7, $0x4;
	s9 =	ssub.s32 s6, s9;
	s4 =	sadd.s32 s4, s7  }
0xb: {  	s8 =	sadd.s32 s8, s5;
	s5 =	sadd.s32 $0x6000, s4;
	s7 =	smax.u32 s9, $0x1  }
0xc: {  	v0 =	vimm.f32 $0.0e+00;
	s9 =	simm.s32 $0x8000;
	s6 =	sadd.s32 $0xA00, s8;
	s8 =	simm.s32 $0x400  }
.LBB2_1:
0xd: {  	[tilespmem:s3], [sflag:$0x2] =	stream.strided.gather [hbm4b:s4+s8], $0x1800, s9, s8, $0x38;
	[tilespmem:$0x5C00] =	vst v63  }
0xe: {  	s17 =	simm.s32 $0x0;
	s18 =	simm.s32 $0x200  }
0xf: {  	[tilespmem:s10], [sflag:$0x2] =	stream.linear.gather [hbm4b:s5+s3], $0x100, $0x38;
	[tilespmem:$0x5C00] =	vst v63  }
.LBB2_2:
0x10: {  	p0 =	sne.s32 s18, $0xFE00;
	[tilespmem:s17+$0x1C70] =	vst v0  }
0x11: {  	[tilespmem:s17+$0x1C00] =	vst v0  }
0x12: {  	[tilespmem:s17+$0x1C10] =	vst v0  }
.Ltmp0:
0x13: {  	[tilespmem:s17+$0x1C20] =	vst v0;
	(pc) =	sbr.rel @p0 .LBB2_2-.Ltmp0, $4  }
0x14: {  	[tilespmem:s17+$0x1C30] =	vst v0  }
0x15: {  	[tilespmem:s17+$0x1C40] =	vst v0  }
0x16: {  	[tilespmem:s17+$0x1C50] =	vst v0  }
0x17: {  	[tilespmem:s17+$0x1C60] =	vst v0;
	s17 =	sshra.s32 s18, $0x2;
	s18 =	sadd.s32 $0x200, s18  }
0x18: {  	[tilespmem:s17+$0x1C70] =	vst v0  }
0x19: {  	[tilespmem:s17+$0x1C00] =	vst v0  }
0x1a: {  	[tilespmem:s17+$0x1C10] =	vst v0  }
0x1b: {  	[tilespmem:s17+$0x1C20] =	vst v0  }
0x1c: {  	[tilespmem:s17+$0x1C30] =	vst v0  }
0x1d: {  	[tilespmem:s17+$0x1C40] =	vst v0  }
0x1e: {  	[tilespmem:s17+$0x1C50] =	vst v0  }
0x1f: {  	[tilespmem:s17+$0x1C60] =	vst v0  }
0x20: {  	_ =	swait.ge [sflag:s11], $0x1900  }
0x21: {  	[sflag:s11] =	ssyncset.done $0x0  }
0x22: {  	s17 =	simm.s32 $0x0;
	[sflag:s11] =	ssyncadd.s32 $0xFFFFE700  }
.LBB2_4:
0x23: {  	p0 =	sne.s32 s17, $0x6200  }
.Ltmp1:
0x24: {  	_ = 	snop;
	(pc) =	sbr.rel @p0 .LBB2_4-.Ltmp1, $3  }
0x25: {  	_ =	sdelay $0x1  }
0x26: {  	s18 =	sshra.s32 s17, $0x2;
	s17 =	sadd.s32 $0x200, s17  }
0x27: {  	[tilespmem:s13], [sflag:$0x1] =	stream.indirect.gather.add.f32 [hbm:s1], $0x80, s18, s12, $0xb8;
	[tilespmem:$0x5C00] =	vst v63  }
0x28: {  	_ =	swait.ge [sflag:s14], $0x4000  }
0x29: {  	s17 =	simm.s32 $0x31;
	[sflag:s14] =	ssyncset.done $0x0  }
.LBB2_6:
0x2a: {  	p0 =	sne.s32 s17, $0x1;
	s17 =	sadd.s32 $0xFFFFFFFF, s17;
	[sflag:s14] =	ssyncadd.s32 $0xFFFFC000  }
.Ltmp2:
0x2b: {  	(pc) =	sbr.rel @p0 .LBB2_6-.Ltmp2, $3  }
0x2c: {  	_ =	sdelay $0x1  }
0x2d: {  	_ =	swait.ge [sflag:s14], $0x4000  }
0x2e: {  	[sflag:s14] =	ssyncset.done $0x0  }
0x2f: {  	s16 =	sadd.s32 $0x1, s16  }
0x30: {  	p0 =	sne.s32 s16, s7  }
.Ltmp3:
0x31: {  	[sflag:s14] =	ssyncadd.s32 $0xFFFFC000;
	(pc) =	sbr.rel @p0 .LBB2_1-.Ltmp3, $4  }
0x32: {  	[hbm4b:s6+s3] =	stream.linear.scatter [tilespmem:s13], [sflag:$0x3], $0x4000, $0x38;
	[tilespmem:$0x5C00] =	vst v63  }
0x33: {  	_ =	swait.ge [sflag:s15], $0x4000  }
0x34: {  	[sflag:s15] =	ssyncset.done $0x0  }
0x35: {  	[sflag:s15] =	ssyncadd.s32 $0xFFFFC000  }
0x36: {  	_ =	sfence.sel $0x180000  }
0x37: {  	[bflag:$0x0] =	sbarrier.arrive $0xFFFF  }
0x38: {  	p0 =	sne.s32 s2, $0x0;
	_ =	strace $0x90000047  }
0x39: {  	s0 =	sadd.s32 @!p0 $0x100000, s0;
	[bflag:$0x2] =	sbarrier.arrive $0xFFFF  }
0x3a: {  	[sflag:s0] =	ssyncadd.tile.s32 @!p0 $0x1;
	_ =	shalt  }
.Lfunc_end2:
_tile_overlayer_lowered:
.L_overlay_start_2:
0x3b: {  	(tag) =	ssettag $0x2  }
0x3c: {  	s0 =	rddreg [dreg:$0x0];
	s2 =	stileid.u32  }
0x3d: {  	s1 =	rddreg [dreg:$0x1];
	p0 =	sne.s32 s2, $0x0  }
0x3e: {  	s3 =	rddreg [dreg:$0x2];
	[bflag:$0x3] =	sbarrier.arrive $0xFFFF;
	s2 =	simm.s32 @!p0 $0x1C03  }
0x3f: {  	[timem:s3], [sflag:s2] =	dma.local @!p0 [hbm:s0], s1  }
0x40: {  	s0 =	simm.s32 @!p0 $0x3  }
0x41: {  	_ =	swait.ge @!p0 [sflag:s0], s1  }
0x42: {  	s1 =	ssub.s32 @!p0 $0x0, s1;
	[sflag:s0] =	ssyncset.done @!p0 $0x0  }
0x43: {  	[sflag:s0] =	ssyncadd.s32 @!p0 s1  }
0x44: {  	[bflag:$0x3] =	sbarrier.arrive $0xFFFF  }
0x45: {  	_ =	shalt  }

</sc_bundles>
